<compile_context>
chip_gen: v7x
topology: tpu7x:2x2x1
jax: 0.10.2.dev20260603
libtpu: 0.0.44.dev20260713+nightly
codegen_flags: <defaults>
</compile_context>

<pallas_src>
import functools

import jax
import jax.numpy as jnp
from jax import lax
from jax.experimental import pallas as pl
from jax.experimental.pallas import tpu as pltpu
from jax.experimental.pallas import tpu_sc as plsc

_BLK = 4096
_IDX_CHUNK = 128


@functools.lru_cache(maxsize=None)
def _make_sc_gather(V, D, B):
    info = plsc.get_sparse_core_info()
    NC, NS = info.num_cores, info.num_subcores
    NW = NC * NS
    bw = B // NW
    nch = bw // _IDX_CHUNK
    mesh = plsc.VectorSubcoreMesh(core_axis_name="c", subcore_axis_name="s")

    @functools.partial(
        pl.kernel,
        mesh=mesh,
        out_type=jax.ShapeDtypeStruct((B, D), jnp.float32),
        scratch_types=[
            pltpu.VMEM((bw,), jnp.int32),
            pltpu.VMEM((bw, D), jnp.float32),
            pltpu.SemaphoreType.DMA((8,)),
            pltpu.SemaphoreType.DMA,
        ],
    )
    def gather_k(table_hbm, idx_hbm, out_hbm, idx_v, rows_v, gsem, wsem):
        wid = lax.axis_index("s") * NC + lax.axis_index("c")
        base = wid * bw
        pltpu.sync_copy(idx_hbm.at[pl.ds(base, bw)], idx_v)
        gathers = [
            pltpu.async_copy(
                table_hbm.at[idx_v.at[pl.ds(j * _IDX_CHUNK, _IDX_CHUNK)]],
                rows_v.at[pl.ds(j * _IDX_CHUNK, _IDX_CHUNK)],
                gsem.at[j],
            )
            for j in range(nch)
        ]
        writes = []
        for j in range(nch):
            gathers[j].wait()
            writes.append(pltpu.async_copy(
                rows_v.at[pl.ds(j * _IDX_CHUNK, _IDX_CHUNK)],
                out_hbm.at[pl.ds(base + j * _IDX_CHUNK, _IDX_CHUNK)],
                wsem,
            ))
        for w in writes:
            w.wait()

    return gather_k


def _dense_body(idx_ref, cls_ref, desc_ref, chem_ref, ctab_ref, w1_ref,
                b1_ref, w2_ref, b2_ref, wg_ref, bg_ref,
                gamma_ref, beta_ref, out_ref):
    blk, d = chem_ref.shape
    chem = chem_ref[...]
    desc = desc_ref[...]

    maskf = (idx_ref[...] != 0).astype(jnp.float32)
    clsf = cls_ref[...].astype(jnp.float32)
    mask_col = maskf.reshape(blk, 1)
    cls_col = clsf.reshape(blk, 1)

    nclass = ctab_ref.shape[0]
    ones_c = jnp.ones((1, nclass), jnp.float32)
    cls_dense = jnp.dot(cls_col, ones_c, preferred_element_type=jnp.float32)
    onehot = (cls_dense == lax.broadcasted_iota(
        jnp.int32, cls_dense.shape, 1).astype(jnp.float32)).astype(jnp.float32)
    ctab = ctab_ref[...] + b2_ref[...].reshape(1, d)
    cls_emb = jnp.dot(onehot, ctab, preferred_element_type=jnp.float32)

    h = jnp.maximum(
        jnp.dot(desc, w1_ref[...], preferred_element_type=jnp.float32)
        + b1_ref[...].reshape(1, -1), 0.0)
    fallback = (jnp.dot(h, w2_ref[...], preferred_element_type=jnp.float32)
                + cls_emb)

    ones_d = jnp.ones((1, d), jnp.float32)
    wgcb = jnp.dot(wg_ref[0:d, :], ones_d, preferred_element_type=jnp.float32)
    wgfb = jnp.dot(wg_ref[d:2 * d, :], ones_d, preferred_element_type=jnp.float32)
    logit = (jnp.dot(chem, wgcb, preferred_element_type=jnp.float32)
             + jnp.dot(fallback, wgfb, preferred_element_type=jnp.float32)
             + bg_ref[0])
    mask_dense = jnp.dot(mask_col, ones_d, preferred_element_type=jnp.float32)
    alpha = mask_dense / (1.0 + jnp.exp(-logit))

    emb = fallback + alpha * (chem - fallback)
    jm = jnp.full((d, d), 1.0 / d, jnp.float32)
    mean = jnp.dot(emb, jm, preferred_element_type=jnp.float32)
    cent = emb - mean
    var = jnp.dot(cent * cent, jm, preferred_element_type=jnp.float32)
    out_ref[...] = (cent * lax.rsqrt(var + 1e-5) * gamma_ref[...].reshape(1, d)
                    + beta_ref[...].reshape(1, d))


def _dense_forward(idx32, cls32, desc, chem_emb, ctab, w1, b1, w2, b2,
                   wg, bg, gamma, beta):
    B, D = chem_emb.shape
    nd = desc.shape[1]
    nb = B // _BLK

    def row_blk(i):
        return (i, 0)

    def row_blk1(i):
        return (i,)

    def fixed(i):
        return (0, 0)

    def fixed1(i):
        return (0,)

    in_specs = [
        pl.BlockSpec((_BLK,), row_blk1),
        pl.BlockSpec((_BLK,), row_blk1),
        pl.BlockSpec((_BLK, nd), row_blk),
        pl.BlockSpec((_BLK, D), row_blk),
        pl.BlockSpec(ctab.shape, fixed),
        pl.BlockSpec(w1.shape, fixed),
        pl.BlockSpec(b1.shape, fixed1),
        pl.BlockSpec(w2.shape, fixed),
        pl.BlockSpec(b2.shape, fixed1),
        pl.BlockSpec(wg.shape, fixed),
        pl.BlockSpec(bg.shape, fixed1),
        pl.BlockSpec(gamma.shape, fixed1),
        pl.BlockSpec(beta.shape, fixed1),
    ]
    out_shape = jax.ShapeDtypeStruct((B, D), jnp.float32)
    out_specs = pl.BlockSpec((_BLK, D), row_blk)
    return pl.pallas_call(
        _dense_body,
        grid=(nb,),
        in_specs=in_specs,
        out_specs=out_specs,
        out_shape=out_shape,
    )(idx32, cls32, desc, chem_emb, ctab, w1, b1, w2, b2, wg, bg, gamma, beta)


def kernel(chemical_idx, class_idx, descriptors, chem_table, class_table,
           W1, b1, W2, b2, Wg, bg, gamma, beta):
    B = chemical_idx.shape[0]
    V, D = chem_table.shape

    idx32 = chemical_idx.astype(jnp.int32)
    cls32 = class_idx.astype(jnp.int32)
    chem_emb = _make_sc_gather(V, D, B)(chem_table, idx32)

    out = _dense_forward(idx32, cls32, descriptors, chem_emb, class_table,
                         W1, b1, W2, b2, Wg, bg, gamma, beta)
    return out, chemical_idx == 0

# --- scband reference (transcript-rebuilt; emitter-appended) ---
"""Pipeline reference for scband-chemical-encoder-4252017623624 (READ-ONLY COPY).

The authoritative reference and input builder live on the scoring server;
editing this copy changes nothing except your own understanding.
"""

import jax, jax.numpy as jnp
import numpy as np

B = 16384
VOCAB = 100000
D = 128
NUM_CLASSES = 20
ND = 8
HID = 64


def _xavier(key, fan_in, fan_out):
    limit = float(np.sqrt(6.0 / (fan_in + fan_out)))
    return jax.random.uniform(key, (fan_in, fan_out), dtype=jnp.float32, minval=-limit, maxval=limit)


def setup_inputs(seed: int = 0) -> dict:
    key = jax.random.key(seed)
    ks = jax.random.split(key, 10)
    chemical_idx = jax.random.randint(ks[0], (B,), 0, VOCAB + 1)
    class_idx = jax.random.randint(ks[1], (B,), 0, NUM_CLASSES)
    descriptors = jax.random.normal(ks[2], (B, ND), dtype=jnp.float32)
    chem_table = 0.02 * jax.random.normal(ks[3], (VOCAB + 1, D), dtype=jnp.float32)
    chem_table = chem_table.at[0].set(0.0)  # padding_idx=0
    class_table = 0.02 * jax.random.normal(ks[4], (NUM_CLASSES, D), dtype=jnp.float32)
    W1 = _xavier(ks[5], ND, HID)
    b1 = jnp.zeros((HID,), dtype=jnp.float32)
    W2 = _xavier(ks[6], HID, D)
    b2 = jnp.zeros((D,), dtype=jnp.float32)
    Wg = _xavier(ks[7], 2 * D, 1)
    bg = jnp.zeros((1,), dtype=jnp.float32)
    gamma = jnp.ones((D,), dtype=jnp.float32)
    beta = jnp.zeros((D,), dtype=jnp.float32)
    return {
        'chemical_idx': chemical_idx,
        'class_idx': class_idx,
        'descriptors': descriptors,
        'chem_table': chem_table,
        'class_table': class_table,
        'W1': W1, 'b1': b1, 'W2': W2, 'b2': b2,
        'Wg': Wg, 'bg': bg, 'gamma': gamma, 'beta': beta,
    }


def reference(chemical_idx, class_idx, descriptors, chem_table, class_table,
              W1, b1, W2, b2, Wg, bg, gamma, beta):
    is_unknown = chemical_idx == 0
    chem_emb = jnp.take(chem_table, chemical_idx, axis=0)
    cls_emb = jnp.take(class_table, class_idx, axis=0)
    h = jax.nn.relu(descriptors @ W1 + b1)
    desc_emb = h @ W2 + b2  # dropout is identity in eval mode
    fallback_emb = cls_emb + desc_emb
    gate_input = jnp.concatenate([chem_emb, fallback_emb], axis=-1)
    alpha = jax.nn.sigmoid(gate_input @ Wg + bg)
    alpha = alpha * (~is_unknown)[:, None].astype(jnp.float32)
    embedding = alpha * chem_emb + (1.0 - alpha) * fallback_emb
    mean = jnp.mean(embedding, axis=-1, keepdims=True)
    var = jnp.var(embedding, axis=-1, keepdims=True)
    embedding = (embedding - mean) / jnp.sqrt(var + 1e-5) * gamma + beta
    return embedding, is_unknown

if __name__ == "__main__":
    import jax
    _d = setup_inputs()
    print(jax.jit(kernel)(*tuple(_d.values())))

</pallas_src>

<mosaic_0001>
#map = affine_map<(d0, d1) -> (0, 0)>
#map1 = affine_map<(d0, d1) -> (0)>
module attributes {stable_mosaic.version = 14 : i64} {
  func.func @gather_k(%arg0: i32, %arg1: i32, %arg2: memref<100001x128xf32, #tpu.memory_space<hbm>>, %arg3: memref<16384xi32, #tpu.memory_space<hbm>>, %arg4: memref<16384x128xf32, #tpu.memory_space<hbm>>, %arg5: memref<512xi32, #tpu.memory_space<vmem>>, %arg6: memref<512x128xf32, #tpu.memory_space<vmem>>, %arg7: memref<8x!tpu.dma_semaphore, #tpu.memory_space<semaphore_mem>>, %arg8: memref<!tpu.dma_semaphore, #tpu.memory_space<semaphore_mem>>) attributes {dimension_semantics = [#tpu.dimension_semantics<core_parallel>, #tpu.dimension_semantics<subcore_parallel>], iteration_bounds = array<i64: 2, 16>, scalar_prefetch = 0 : i64, scratch_operands = 4 : i64, tpu.core_type = #tpu.core_type<sc_vector_subcore>, window_params = [{transform_indices = #map}, {transform_indices = #map1}, {transform_indices = #map}]} {
    %mul3A = arith.constant 2 : i32
    %mul3A_0 = arith.muli %arg1, %mul3A : i32
    %add3A = arith.addi %mul3A_0, %arg0 : i32
    %mul3A_1 = arith.constant 512 : i32
    %mul3A_2 = arith.muli %add3A, %mul3A_1 : i32
    "tpu.region"() ({
      %run_scoped3A = tpu.sem_alloc : memref<!tpu.dma_semaphore, #tpu.memory_space<semaphore_mem>>
      %dma_start3A_177 = tpu.memref_slice %arg3[%mul3A_2] : memref<16384xi32, #tpu.memory_space<hbm>> -> memref<512xi32, #tpu.memory_space<hbm>>
      %dma_start3A_178 = tpu.memref_slice %arg3[%mul3A_2] : memref<16384xi32, #tpu.memory_space<hbm>> -> memref<512xi32, #tpu.memory_space<hbm>>
      tpu.enqueue_dma source(%dma_start3A_178 : memref<512xi32, #tpu.memory_space<hbm>>) target(%arg5 : memref<512xi32, #tpu.memory_space<vmem>>) target_semaphore(%run_scoped3A : memref<!tpu.dma_semaphore, #tpu.memory_space<semaphore_mem>>)
      %dma_wait3A_179 = tpu.memref_slice %arg3[%mul3A_2] : memref<16384xi32, #tpu.memory_space<hbm>> -> memref<512xi32, #tpu.memory_space<hbm>>
      %dma_wait3A_180 = tpu.memref_slice %arg3[%mul3A_2] : memref<16384xi32, #tpu.memory_space<hbm>> -> memref<512xi32, #tpu.memory_space<hbm>>
      tpu.wait_dma2 semaphore(%run_scoped3A : memref<!tpu.dma_semaphore, #tpu.memory_space<semaphore_mem>>) src(%dma_wait3A_180 : memref<512xi32, #tpu.memory_space<hbm>>) dst(%arg5 : memref<512xi32, #tpu.memory_space<vmem>>)
      tpu.yield
    }) : () -> ()
    %dma_start3A = arith.constant 0 : i32
    %dma_start3A_3 = arith.constant 0 : i32
    %dma_start3A_4 = arith.constant 0 : i32
    %dma_start3A_5 = tpu.memref_slice %arg6[%dma_start3A_3, %dma_start3A_4] : memref<512x128xf32, #tpu.memory_space<vmem>> -> memref<128x128xf32, #tpu.memory_space<vmem>>
    %dma_start3A_6 = arith.constant 0 : i32
    %dma_start3A_7 = tpu.memref_slice %arg5[%dma_start3A_6] : memref<512xi32, #tpu.memory_space<vmem>> -> memref<128xi32, #tpu.memory_space<vmem>>
    %dma_start3A_8 = arith.constant 0 : i32
    %dma_start3A_9 = arith.constant 0 : i32
    %dma_start3A_10 = tpu.memref_slice %arg2[%dma_start3A_8, %dma_start3A_9] : memref<100001x128xf32, #tpu.memory_space<hbm>> -> memref<100001x128xf32, #tpu.memory_space<hbm>>
    %dma_start3A_11 = tpu.memref_slice %arg7[%dma_start3A] : memref<8x!tpu.dma_semaphore, #tpu.memory_space<semaphore_mem>> -> memref<1x!tpu.dma_semaphore, #tpu.memory_space<semaphore_mem>>
    %dma_start3A_12 = tpu.memref_squeeze %dma_start3A_11 : memref<1x!tpu.dma_semaphore, #tpu.memory_space<semaphore_mem>> -> memref<!tpu.dma_semaphore, #tpu.memory_space<semaphore_mem>>
    tpu.enqueue_indirect_dma source(%dma_start3A_10 : memref<100001x128xf32, #tpu.memory_space<hbm>>) target(%dma_start3A_5 : memref<128x128xf32, #tpu.memory_space<vmem>>) offsets(%dma_start3A_7 : memref<128xi32, #tpu.memory_space<vmem>>) semaphore(%dma_start3A_12 : memref<!tpu.dma_semaphore, #tpu.memory_space<semaphore_mem>>)
    %dma_start3A_13 = arith.constant 1 : i32
    %dma_start3A_14 = arith.constant 128 : i32
    %dma_start3A_15 = arith.constant 0 : i32
    %dma_start3A_16 = tpu.memref_slice %arg6[%dma_start3A_14, %dma_start3A_15] : memref<512x128xf32, #tpu.memory_space<vmem>> -> memref<128x128xf32, #tpu.memory_space<vmem>>
    %dma_start3A_17 = arith.constant 128 : i32
    %dma_start3A_18 = tpu.memref_slice %arg5[%dma_start3A_17] : memref<512xi32, #tpu.memory_space<vmem>> -> memref<128xi32, #tpu.memory_space<vmem>>
    %dma_start3A_19 = arith.constant 0 : i32
    %dma_start3A_20 = arith.constant 0 : i32
    %dma_start3A_21 = tpu.memref_slice %arg2[%dma_start3A_19, %dma_start3A_20] : memref<100001x128xf32, #tpu.memory_space<hbm>> -> memref<100001x128xf32, #tpu.memory_space<hbm>>
    %dma_start3A_22 = tpu.memref_slice %arg7[%dma_start3A_13] : memref<8x!tpu.dma_semaphore, #tpu.memory_space<semaphore_mem>> -> memref<1x!tpu.dma_semaphore, #tpu.memory_space<semaphore_mem>>
    %dma_start3A_23 = tpu.memref_squeeze %dma_start3A_22 : memref<1x!tpu.dma_semaphore, #tpu.memory_space<semaphore_mem>> -> memref<!tpu.dma_semaphore, #tpu.memory_space<semaphore_mem>>
    tpu.enqueue_indirect_dma source(%dma_start3A_21 : memref<100001x128xf32, #tpu.memory_space<hbm>>) target(%dma_start3A_16 : memref<128x128xf32, #tpu.memory_space<vmem>>) offsets(%dma_start3A_18 : memref<128xi32, #tpu.memory_space<vmem>>) semaphore(%dma_start3A_23 : memref<!tpu.dma_semaphore, #tpu.memory_space<semaphore_mem>>)
    %dma_start3A_24 = arith.constant 2 : i32
    %dma_start3A_25 = arith.constant 256 : i32
    %dma_start3A_26 = arith.constant 0 : i32
    %dma_start3A_27 = tpu.memref_slice %arg6[%dma_start3A_25, %dma_start3A_26] : memref<512x128xf32, #tpu.memory_space<vmem>> -> memref<128x128xf32, #tpu.memory_space<vmem>>
    %dma_start3A_28 = arith.constant 256 : i32
    %dma_start3A_29 = tpu.memref_slice %arg5[%dma_start3A_28] : memref<512xi32, #tpu.memory_space<vmem>> -> memref<128xi32, #tpu.memory_space<vmem>>
    %dma_start3A_30 = arith.constant 0 : i32
    %dma_start3A_31 = arith.constant 0 : i32
    %dma_start3A_32 = tpu.memref_slice %arg2[%dma_start3A_30, %dma_start3A_31] : memref<100001x128xf32, #tpu.memory_space<hbm>> -> memref<100001x128xf32, #tpu.memory_space<hbm>>
    %dma_start3A_33 = tpu.memref_slice %arg7[%dma_start3A_24] : memref<8x!tpu.dma_semaphore, #tpu.memory_space<semaphore_mem>> -> memref<1x!tpu.dma_semaphore, #tpu.memory_space<semaphore_mem>>
    %dma_start3A_34 = tpu.memref_squeeze %dma_start3A_33 : memref<1x!tpu.dma_semaphore, #tpu.memory_space<semaphore_mem>> -> memref<!tpu.dma_semaphore, #tpu.memory_space<semaphore_mem>>
    tpu.enqueue_indirect_dma source(%dma_start3A_32 : memref<100001x128xf32, #tpu.memory_space<hbm>>) target(%dma_start3A_27 : memref<128x128xf32, #tpu.memory_space<vmem>>) offsets(%dma_start3A_29 : memref<128xi32, #tpu.memory_space<vmem>>) semaphore(%dma_start3A_34 : memref<!tpu.dma_semaphore, #tpu.memory_space<semaphore_mem>>)
    %dma_start3A_35 = arith.constant 3 : i32
    %dma_start3A_36 = arith.constant 384 : i32
    %dma_start3A_37 = arith.constant 0 : i32
    %dma_start3A_38 = tpu.memref_slice %arg6[%dma_start3A_36, %dma_start3A_37] : memref<512x128xf32, #tpu.memory_space<vmem>> -> memref<128x128xf32, #tpu.memory_space<vmem>>
    %dma_start3A_39 = arith.constant 384 : i32
    %dma_start3A_40 = tpu.memref_slice %arg5[%dma_start3A_39] : memref<512xi32, #tpu.memory_space<vmem>> -> memref<128xi32, #tpu.memory_space<vmem>>
    %dma_start3A_41 = arith.constant 0 : i32
    %dma_start3A_42 = arith.constant 0 : i32
    %dma_start3A_43 = tpu.memref_slice %arg2[%dma_start3A_41, %dma_start3A_42] : memref<100001x128xf32, #tpu.memory_space<hbm>> -> memref<100001x128xf32, #tpu.memory_space<hbm>>
    %dma_start3A_44 = tpu.memref_slice %arg7[%dma_start3A_35] : memref<8x!tpu.dma_semaphore, #tpu.memory_space<semaphore_mem>> -> memref<1x!tpu.dma_semaphore, #tpu.memory_space<semaphore_mem>>
    %dma_start3A_45 = tpu.memref_squeeze %dma_start3A_44 : memref<1x!tpu.dma_semaphore, #tpu.memory_space<semaphore_mem>> -> memref<!tpu.dma_semaphore, #tpu.memory_space<semaphore_mem>>
    tpu.enqueue_indirect_dma source(%dma_start3A_43 : memref<100001x128xf32, #tpu.memory_space<hbm>>) target(%dma_start3A_38 : memref<128x128xf32, #tpu.memory_space<vmem>>) offsets(%dma_start3A_40 : memref<128xi32, #tpu.memory_space<vmem>>) semaphore(%dma_start3A_45 : memref<!tpu.dma_semaphore, #tpu.memory_space<semaphore_mem>>)
    %dma_wait3A = arith.constant 0 : i32
    %dma_wait3A_46 = arith.constant 0 : i32
    %dma_wait3A_47 = arith.constant 0 : i32
    %dma_wait3A_48 = tpu.memref_slice %arg6[%dma_wait3A_46, %dma_wait3A_47] : memref<512x128xf32, #tpu.memory_space<vmem>> -> memref<128x128xf32, #tpu.memory_space<vmem>>
    %dma_wait3A_49 = arith.constant 0 : i32
    %dma_wait3A_50 = tpu.memref_slice %arg5[%dma_wait3A_49] : memref<512xi32, #tpu.memory_space<vmem>> -> memref<128xi32, #tpu.memory_space<vmem>>
    %dma_wait3A_51 = arith.constant 0 : i32
    %dma_wait3A_52 = arith.constant 0 : i32
    %dma_wait3A_53 = tpu.memref_slice %arg2[%dma_wait3A_51, %dma_wait3A_52] : memref<100001x128xf32, #tpu.memory_space<hbm>> -> memref<100001x128xf32, #tpu.memory_space<hbm>>
    %dma_wait3A_54 = tpu.memref_slice %arg7[%dma_wait3A] : memref<8x!tpu.dma_semaphore, #tpu.memory_space<semaphore_mem>> -> memref<1x!tpu.dma_semaphore, #tpu.memory_space<semaphore_mem>>
    %dma_wait3A_55 = tpu.memref_squeeze %dma_wait3A_54 : memref<1x!tpu.dma_semaphore, #tpu.memory_space<semaphore_mem>> -> memref<!tpu.dma_semaphore, #tpu.memory_space<semaphore_mem>>
    tpu.wait_indirect_dma semaphore(%dma_wait3A_55 : memref<!tpu.dma_semaphore, #tpu.memory_space<semaphore_mem>>) src(%dma_wait3A_53 : memref<100001x128xf32, #tpu.memory_space<hbm>>) dst(%dma_wait3A_48 : memref<128x128xf32, #tpu.memory_space<vmem>>)
    %add3A_56 = arith.constant 0 : i32
    %add3A_57 = arith.addi %mul3A_2, %add3A_56 : i32
    %dma_start3A_58 = arith.constant 0 : i32
    %dma_start3A_59 = arith.constant 0 : i32
    %dma_start3A_60 = tpu.memref_slice %arg6[%dma_start3A_58, %dma_start3A_59] : memref<512x128xf32, #tpu.memory_space<vmem>> -> memref<128x128xf32, #tpu.memory_space<vmem>>
    %dma_start3A_61 = arith.constant 0 : i32
    %dma_start3A_62 = tpu.memref_slice %arg4[%add3A_57, %dma_start3A_61] : memref<16384x128xf32, #tpu.memory_space<hbm>> -> memref<128x128xf32, #tpu.memory_space<hbm>>
    %dma_start3A_63 = arith.constant 0 : i32
    %dma_start3A_64 = tpu.memref_slice %arg4[%add3A_57, %dma_start3A_63] : memref<16384x128xf32, #tpu.memory_space<hbm>> -> memref<128x128xf32, #tpu.memory_space<hbm>>
    %dma_start3A_65 = arith.constant 0 : i32
    %dma_start3A_66 = arith.constant 0 : i32
    %dma_start3A_67 = tpu.memref_slice %arg6[%dma_start3A_65, %dma_start3A_66] : memref<512x128xf32, #tpu.memory_space<vmem>> -> memref<128x128xf32, #tpu.memory_space<vmem>>
    tpu.enqueue_dma source(%dma_start3A_67 : memref<128x128xf32, #tpu.memory_space<vmem>>) target(%dma_start3A_64 : memref<128x128xf32, #tpu.memory_space<hbm>>) target_semaphore(%arg8 : memref<!tpu.dma_semaphore, #tpu.memory_space<semaphore_mem>>)
    %dma_wait3A_68 = arith.constant 1 : i32
    %dma_wait3A_69 = arith.constant 128 : i32
    %dma_wait3A_70 = arith.constant 0 : i32
    %dma_wait3A_71 = tpu.memref_slice %arg6[%dma_wait3A_69, %dma_wait3A_70] : memref<512x128xf32, #tpu.memory_space<vmem>> -> memref<128x128xf32, #tpu.memory_space<vmem>>
    %dma_wait3A_72 = arith.constant 128 : i32
    %dma_wait3A_73 = tpu.memref_slice %arg5[%dma_wait3A_72] : memref<512xi32, #tpu.memory_space<vmem>> -> memref<128xi32, #tpu.memory_space<vmem>>
    %dma_wait3A_74 = arith.constant 0 : i32
    %dma_wait3A_75 = arith.constant 0 : i32
    %dma_wait3A_76 = tpu.memref_slice %arg2[%dma_wait3A_74, %dma_wait3A_75] : memref<100001x128xf32, #tpu.memory_space<hbm>> -> memref<100001x128xf32, #tpu.memory_space<hbm>>
    %dma_wait3A_77 = tpu.memref_slice %arg7[%dma_wait3A_68] : memref<8x!tpu.dma_semaphore, #tpu.memory_space<semaphore_mem>> -> memref<1x!tpu.dma_semaphore, #tpu.memory_space<semaphore_mem>>
    %dma_wait3A_78 = tpu.memref_squeeze %dma_wait3A_77 : memref<1x!tpu.dma_semaphore, #tpu.memory_space<semaphore_mem>> -> memref<!tpu.dma_semaphore, #tpu.memory_space<semaphore_mem>>
    tpu.wait_indirect_dma semaphore(%dma_wait3A_78 : memref<!tpu.dma_semaphore, #tpu.memory_space<semaphore_mem>>) src(%dma_wait3A_76 : memref<100001x128xf32, #tpu.memory_space<hbm>>) dst(%dma_wait3A_71 : memref<128x128xf32, #tpu.memory_space<vmem>>)
    %add3A_79 = arith.constant 128 : i32
    %add3A_80 = arith.addi %mul3A_2, %add3A_79 : i32
    %dma_start3A_81 = arith.constant 128 : i32
    %dma_start3A_82 = arith.constant 0 : i32
    %dma_start3A_83 = tpu.memref_slice %arg6[%dma_start3A_81, %dma_start3A_82] : memref<512x128xf32, #tpu.memory_space<vmem>> -> memref<128x128xf32, #tpu.memory_space<vmem>>
    %dma_start3A_84 = arith.constant 0 : i32
    %dma_start3A_85 = tpu.memref_slice %arg4[%add3A_80, %dma_start3A_84] : memref<16384x128xf32, #tpu.memory_space<hbm>> -> memref<128x128xf32, #tpu.memory_space<hbm>>
    %dma_start3A_86 = arith.constant 0 : i32
    %dma_start3A_87 = tpu.memref_slice %arg4[%add3A_80, %dma_start3A_86] : memref<16384x128xf32, #tpu.memory_space<hbm>> -> memref<128x128xf32, #tpu.memory_space<hbm>>
    %dma_start3A_88 = arith.constant 128 : i32
    %dma_start3A_89 = arith.constant 0 : i32
    %dma_start3A_90 = tpu.memref_slice %arg6[%dma_start3A_88, %dma_start3A_89] : memref<512x128xf32, #tpu.memory_space<vmem>> -> memref<128x128xf32, #tpu.memory_space<vmem>>
    tpu.enqueue_dma source(%dma_start3A_90 : memref<128x128xf32, #tpu.memory_space<vmem>>) target(%dma_start3A_87 : memref<128x128xf32, #tpu.memory_space<hbm>>) target_semaphore(%arg8 : memref<!tpu.dma_semaphore, #tpu.memory_space<semaphore_mem>>)
    %dma_wait3A_91 = arith.constant 2 : i32
    %dma_wait3A_92 = arith.constant 256 : i32
    %dma_wait3A_93 = arith.constant 0 : i32
    %dma_wait3A_94 = tpu.memref_slice %arg6[%dma_wait3A_92, %dma_wait3A_93] : memref<512x128xf32, #tpu.memory_space<vmem>> -> memref<128x128xf32, #tpu.memory_space<vmem>>
    %dma_wait3A_95 = arith.constant 256 : i32
    %dma_wait3A_96 = tpu.memref_slice %arg5[%dma_wait3A_95] : memref<512xi32, #tpu.memory_space<vmem>> -> memref<128xi32, #tpu.memory_space<vmem>>
    %dma_wait3A_97 = arith.constant 0 : i32
    %dma_wait3A_98 = arith.constant 0 : i32
    %dma_wait3A_99 = tpu.memref_slice %arg2[%dma_wait3A_97, %dma_wait3A_98] : memref<100001x128xf32, #tpu.memory_space<hbm>> -> memref<100001x128xf32, #tpu.memory_space<hbm>>
    %dma_wait3A_100 = tpu.memref_slice %arg7[%dma_wait3A_91] : memref<8x!tpu.dma_semaphore, #tpu.memory_space<semaphore_mem>> -> memref<1x!tpu.dma_semaphore, #tpu.memory_space<semaphore_mem>>
    %dma_wait3A_101 = tpu.memref_squeeze %dma_wait3A_100 : memref<1x!tpu.dma_semaphore, #tpu.memory_space<semaphore_mem>> -> memref<!tpu.dma_semaphore, #tpu.memory_space<semaphore_mem>>
    tpu.wait_indirect_dma semaphore(%dma_wait3A_101 : memref<!tpu.dma_semaphore, #tpu.memory_space<semaphore_mem>>) src(%dma_wait3A_99 : memref<100001x128xf32, #tpu.memory_space<hbm>>) dst(%dma_wait3A_94 : memref<128x128xf32, #tpu.memory_space<vmem>>)
    %add3A_102 = arith.constant 256 : i32
    %add3A_103 = arith.addi %mul3A_2, %add3A_102 : i32
    %dma_start3A_104 = arith.constant 256 : i32
    %dma_start3A_105 = arith.constant 0 : i32
    %dma_start3A_106 = tpu.memref_slice %arg6[%dma_start3A_104, %dma_start3A_105] : memref<512x128xf32, #tpu.memory_space<vmem>> -> memref<128x128xf32, #tpu.memory_space<vmem>>
    %dma_start3A_107 = arith.constant 0 : i32
    %dma_start3A_108 = tpu.memref_slice %arg4[%add3A_103, %dma_start3A_107] : memref<16384x128xf32, #tpu.memory_space<hbm>> -> memref<128x128xf32, #tpu.memory_space<hbm>>
    %dma_start3A_109 = arith.constant 0 : i32
    %dma_start3A_110 = tpu.memref_slice %arg4[%add3A_103, %dma_start3A_109] : memref<16384x128xf32, #tpu.memory_space<hbm>> -> memref<128x128xf32, #tpu.memory_space<hbm>>
    %dma_start3A_111 = arith.constant 256 : i32
    %dma_start3A_112 = arith.constant 0 : i32
    %dma_start3A_113 = tpu.memref_slice %arg6[%dma_start3A_111, %dma_start3A_112] : memref<512x128xf32, #tpu.memory_space<vmem>> -> memref<128x128xf32, #tpu.memory_space<vmem>>
    tpu.enqueue_dma source(%dma_start3A_113 : memref<128x128xf32, #tpu.memory_space<vmem>>) target(%dma_start3A_110 : memref<128x128xf32, #tpu.memory_space<hbm>>) target_semaphore(%arg8 : memref<!tpu.dma_semaphore, #tpu.memory_space<semaphore_mem>>)
    %dma_wait3A_114 = arith.constant 3 : i32
    %dma_wait3A_115 = arith.constant 384 : i32
    %dma_wait3A_116 = arith.constant 0 : i32
    %dma_wait3A_117 = tpu.memref_slice %arg6[%dma_wait3A_115, %dma_wait3A_116] : memref<512x128xf32, #tpu.memory_space<vmem>> -> memref<128x128xf32, #tpu.memory_space<vmem>>
    %dma_wait3A_118 = arith.constant 384 : i32
    %dma_wait3A_119 = tpu.memref_slice %arg5[%dma_wait3A_118] : memref<512xi32, #tpu.memory_space<vmem>> -> memref<128xi32, #tpu.memory_space<vmem>>
    %dma_wait3A_120 = arith.constant 0 : i32
    %dma_wait3A_121 = arith.constant 0 : i32
    %dma_wait3A_122 = tpu.memref_slice %arg2[%dma_wait3A_120, %dma_wait3A_121] : memref<100001x128xf32, #tpu.memory_space<hbm>> -> memref<100001x128xf32, #tpu.memory_space<hbm>>
    %dma_wait3A_123 = tpu.memref_slice %arg7[%dma_wait3A_114] : memref<8x!tpu.dma_semaphore, #tpu.memory_space<semaphore_mem>> -> memref<1x!tpu.dma_semaphore, #tpu.memory_space<semaphore_mem>>
    %dma_wait3A_124 = tpu.memref_squeeze %dma_wait3A_123 : memref<1x!tpu.dma_semaphore, #tpu.memory_space<semaphore_mem>> -> memref<!tpu.dma_semaphore, #tpu.memory_space<semaphore_mem>>
    tpu.wait_indirect_dma semaphore(%dma_wait3A_124 : memref<!tpu.dma_semaphore, #tpu.memory_space<semaphore_mem>>) src(%dma_wait3A_122 : memref<100001x128xf32, #tpu.memory_space<hbm>>) dst(%dma_wait3A_117 : memref<128x128xf32, #tpu.memory_space<vmem>>)
    %add3A_125 = arith.constant 384 : i32
    %add3A_126 = arith.addi %mul3A_2, %add3A_125 : i32
    %dma_start3A_127 = arith.constant 384 : i32
    %dma_start3A_128 = arith.constant 0 : i32
    %dma_start3A_129 = tpu.memref_slice %arg6[%dma_start3A_127, %dma_start3A_128] : memref<512x128xf32, #tpu.memory_space<vmem>> -> memref<128x128xf32, #tpu.memory_space<vmem>>
    %dma_start3A_130 = arith.constant 0 : i32
    %dma_start3A_131 = tpu.memref_slice %arg4[%add3A_126, %dma_start3A_130] : memref<16384x128xf32, #tpu.memory_space<hbm>> -> memref<128x128xf32, #tpu.memory_space<hbm>>
    %dma_start3A_132 = arith.constant 0 : i32
    %dma_start3A_133 = tpu.memref_slice %arg4[%add3A_126, %dma_start3A_132] : memref<16384x128xf32, #tpu.memory_space<hbm>> -> memref<128x128xf32, #tpu.memory_space<hbm>>
    %dma_start3A_134 = arith.constant 384 : i32
    %dma_start3A_135 = arith.constant 0 : i32
    %dma_start3A_136 = tpu.memref_slice %arg6[%dma_start3A_134, %dma_start3A_135] : memref<512x128xf32, #tpu.memory_space<vmem>> -> memref<128x128xf32, #tpu.memory_space<vmem>>
    tpu.enqueue_dma source(%dma_start3A_136 : memref<128x128xf32, #tpu.memory_space<vmem>>) target(%dma_start3A_133 : memref<128x128xf32, #tpu.memory_space<hbm>>) target_semaphore(%arg8 : memref<!tpu.dma_semaphore, #tpu.memory_space<semaphore_mem>>)
    %dma_wait3A_137 = arith.constant 0 : i32
    %dma_wait3A_138 = arith.constant 0 : i32
    %dma_wait3A_139 = tpu.memref_slice %arg6[%dma_wait3A_137, %dma_wait3A_138] : memref<512x128xf32, #tpu.memory_space<vmem>> -> memref<128x128xf32, #tpu.memory_space<vmem>>
    %dma_wait3A_140 = arith.constant 0 : i32
    %dma_wait3A_141 = tpu.memref_slice %arg4[%add3A_57, %dma_wait3A_140] : memref<16384x128xf32, #tpu.memory_space<hbm>> -> memref<128x128xf32, #tpu.memory_space<hbm>>
    %dma_wait3A_142 = arith.constant 0 : i32
    %dma_wait3A_143 = tpu.memref_slice %arg4[%add3A_57, %dma_wait3A_142] : memref<16384x128xf32, #tpu.memory_space<hbm>> -> memref<128x128xf32, #tpu.memory_space<hbm>>
    %dma_wait3A_144 = arith.constant 0 : i32
    %dma_wait3A_145 = arith.constant 0 : i32
    %dma_wait3A_146 = tpu.memref_slice %arg6[%dma_wait3A_144, %dma_wait3A_145] : memref<512x128xf32, #tpu.memory_space<vmem>> -> memref<128x128xf32, #tpu.memory_space<vmem>>
    tpu.wait_dma2 semaphore(%arg8 : memref<!tpu.dma_semaphore, #tpu.memory_space<semaphore_mem>>) src(%dma_wait3A_146 : memref<128x128xf32, #tpu.memory_space<vmem>>) dst(%dma_wait3A_143 : memref<128x128xf32, #tpu.memory_space<hbm>>)
    %dma_wait3A_147 = arith.constant 128 : i32
    %dma_wait3A_148 = arith.constant 0 : i32
    %dma_wait3A_149 = tpu.memref_slice %arg6[%dma_wait3A_147, %dma_wait3A_148] : memref<512x128xf32, #tpu.memory_space<vmem>> -> memref<128x128xf32, #tpu.memory_space<vmem>>
    %dma_wait3A_150 = arith.constant 0 : i32
    %dma_wait3A_151 = tpu.memref_slice %arg4[%add3A_80, %dma_wait3A_150] : memref<16384x128xf32, #tpu.memory_space<hbm>> -> memref<128x128xf32, #tpu.memory_space<hbm>>
    %dma_wait3A_152 = arith.constant 0 : i32
    %dma_wait3A_153 = tpu.memref_slice %arg4[%add3A_80, %dma_wait3A_152] : memref<16384x128xf32, #tpu.memory_space<hbm>> -> memref<128x128xf32, #tpu.memory_space<hbm>>
    %dma_wait3A_154 = arith.constant 128 : i32
    %dma_wait3A_155 = arith.constant 0 : i32
    %dma_wait3A_156 = tpu.memref_slice %arg6[%dma_wait3A_154, %dma_wait3A_155] : memref<512x128xf32, #tpu.memory_space<vmem>> -> memref<128x128xf32, #tpu.memory_space<vmem>>
    tpu.wait_dma2 semaphore(%arg8 : memref<!tpu.dma_semaphore, #tpu.memory_space<semaphore_mem>>) src(%dma_wait3A_156 : memref<128x128xf32, #tpu.memory_space<vmem>>) dst(%dma_wait3A_153 : memref<128x128xf32, #tpu.memory_space<hbm>>)
    %dma_wait3A_157 = arith.constant 256 : i32
    %dma_wait3A_158 = arith.constant 0 : i32
    %dma_wait3A_159 = tpu.memref_slice %arg6[%dma_wait3A_157, %dma_wait3A_158] : memref<512x128xf32, #tpu.memory_space<vmem>> -> memref<128x128xf32, #tpu.memory_space<vmem>>
    %dma_wait3A_160 = arith.constant 0 : i32
    %dma_wait3A_161 = tpu.memref_slice %arg4[%add3A_103, %dma_wait3A_160] : memref<16384x128xf32, #tpu.memory_space<hbm>> -> memref<128x128xf32, #tpu.memory_space<hbm>>
    %dma_wait3A_162 = arith.constant 0 : i32
    %dma_wait3A_163 = tpu.memref_slice %arg4[%add3A_103, %dma_wait3A_162] : memref<16384x128xf32, #tpu.memory_space<hbm>> -> memref<128x128xf32, #tpu.memory_space<hbm>>
    %dma_wait3A_164 = arith.constant 256 : i32
    %dma_wait3A_165 = arith.constant 0 : i32
    %dma_wait3A_166 = tpu.memref_slice %arg6[%dma_wait3A_164, %dma_wait3A_165] : memref<512x128xf32, #tpu.memory_space<vmem>> -> memref<128x128xf32, #tpu.memory_space<vmem>>
    tpu.wait_dma2 semaphore(%arg8 : memref<!tpu.dma_semaphore, #tpu.memory_space<semaphore_mem>>) src(%dma_wait3A_166 : memref<128x128xf32, #tpu.memory_space<vmem>>) dst(%dma_wait3A_163 : memref<128x128xf32, #tpu.memory_space<hbm>>)
    %dma_wait3A_167 = arith.constant 384 : i32
    %dma_wait3A_168 = arith.constant 0 : i32
    %dma_wait3A_169 = tpu.memref_slice %arg6[%dma_wait3A_167, %dma_wait3A_168] : memref<512x128xf32, #tpu.memory_space<vmem>> -> memref<128x128xf32, #tpu.memory_space<vmem>>
    %dma_wait3A_170 = arith.constant 0 : i32
    %dma_wait3A_171 = tpu.memref_slice %arg4[%add3A_126, %dma_wait3A_170] : memref<16384x128xf32, #tpu.memory_space<hbm>> -> memref<128x128xf32, #tpu.memory_space<hbm>>
    %dma_wait3A_172 = arith.constant 0 : i32
    %dma_wait3A_173 = tpu.memref_slice %arg4[%add3A_126, %dma_wait3A_172] : memref<16384x128xf32, #tpu.memory_space<hbm>> -> memref<128x128xf32, #tpu.memory_space<hbm>>
    %dma_wait3A_174 = arith.constant 384 : i32
    %dma_wait3A_175 = arith.constant 0 : i32
    %dma_wait3A_176 = tpu.memref_slice %arg6[%dma_wait3A_174, %dma_wait3A_175] : memref<512x128xf32, #tpu.memory_space<vmem>> -> memref<128x128xf32, #tpu.memory_space<vmem>>
    tpu.wait_dma2 semaphore(%arg8 : memref<!tpu.dma_semaphore, #tpu.memory_space<semaphore_mem>>) src(%dma_wait3A_176 : memref<128x128xf32, #tpu.memory_space<vmem>>) dst(%dma_wait3A_173 : memref<128x128xf32, #tpu.memory_space<hbm>>)
    return
  }
}

module attributes {stable_mosaic.version = 14 : i64} {
  func.func @_dense_body(%arg0: i32, %arg1: memref<4096xi32, #tpu.memory_space<vmem>>, %arg2: memref<4096xi32, #tpu.memory_space<vmem>>, %arg3: memref<4096x8xf32, #tpu.memory_space<vmem>>, %arg4: memref<4096x128xf32, #tpu.memory_space<vmem>>, %arg5: memref<20x128xf32, #tpu.memory_space<vmem>>, %arg6: memref<8x64xf32, #tpu.memory_space<vmem>>, %arg7: memref<64xf32, #tpu.memory_space<vmem>>, %arg8: memref<64x128xf32, #tpu.memory_space<vmem>>, %arg9: memref<128xf32, #tpu.memory_space<vmem>>, %arg10: memref<256x1xf32, #tpu.memory_space<vmem>>, %arg11: memref<1xf32, #tpu.memory_space<vmem>>, %arg12: memref<128xf32, #tpu.memory_space<vmem>>, %arg13: memref<128xf32, #tpu.memory_space<vmem>>, %arg14: memref<4096x128xf32, #tpu.memory_space<vmem>>) attributes {dimension_semantics = [#tpu.dimension_semantics<arbitrary>], iteration_bounds = array<i64: 4>, scalar_prefetch = 0 : i64, scratch_operands = 0 : i64, tpu.core_type = #tpu.core_type<tc>, window_params = [{transform_indices = @transform_0, window_bounds = array<i64: 4096>}, {transform_indices = @transform_1, window_bounds = array<i64: 4096>}, {transform_indices = @transform_2, window_bounds = array<i64: 4096, 8>}, {transform_indices = @transform_3, window_bounds = array<i64: 4096, 128>}, {pipeline_mode = #tpu.pipeline_mode<synchronous>, transform_indices = @transform_4, window_bounds = array<i64: 20, 128>}, {pipeline_mode = #tpu.pipeline_mode<synchronous>, transform_indices = @transform_5, window_bounds = array<i64: 8, 64>}, {pipeline_mode = #tpu.pipeline_mode<synchronous>, transform_indices = @transform_6, window_bounds = array<i64: 64>}, {pipeline_mode = #tpu.pipeline_mode<synchronous>, transform_indices = @transform_7, window_bounds = array<i64: 64, 128>}, {pipeline_mode = #tpu.pipeline_mode<synchronous>, transform_indices = @transform_8, window_bounds = array<i64: 128>}, {pipeline_mode = #tpu.pipeline_mode<synchronous>, transform_indices = @transform_9, window_bounds = array<i64: 256, 1>}, {pipeline_mode = #tpu.pipeline_mode<synchronous>, transform_indices = @transform_10, window_bounds = array<i64: 1>}, {pipeline_mode = #tpu.pipeline_mode<synchronous>, transform_indices = @transform_11, window_bounds = array<i64: 128>}, {pipeline_mode = #tpu.pipeline_mode<synchronous>, transform_indices = @transform_12, window_bounds = array<i64: 128>}, {transform_indices = @transform_13, window_bounds = array<i64: 4096, 128>}]} {
    %get3A = arith.constant 0 : index
    %get3A_0 = arith.constant 0 : index
    %get3A_1 = vector.load %arg4[%get3A, %get3A_0] : memref<4096x128xf32, #tpu.memory_space<vmem>>, vector<4096x128xf32>
    %get3A_2 = arith.constant 0 : index
    %get3A_3 = arith.constant 0 : index
    %get3A_4 = vector.load %arg3[%get3A_2, %get3A_3] : memref<4096x8xf32, #tpu.memory_space<vmem>>, vector<4096x8xf32>
    %get3A_5 = arith.constant 0 : index
    %get3A_6 = vector.load %arg1[%get3A_5] : memref<4096xi32, #tpu.memory_space<vmem>>, vector<4096xi32>
    %ne3A = arith.constant 0 : i32
    %ne3A_7 = vector.broadcast %ne3A : i32 to vector<4096xi32>
    %ne3A_8 = arith.cmpi ne, %get3A_6, %ne3A_7 : vector<4096xi32>
    %convert_element_type3A = arith.extui %ne3A_8 : vector<4096xi1> to vector<4096xi32>
    %convert_element_type3A_9 = arith.sitofp %convert_element_type3A : vector<4096xi32> to vector<4096xf32>
    %get3A_10 = arith.constant 0 : index
    %get3A_11 = vector.load %arg2[%get3A_10] : memref<4096xi32, #tpu.memory_space<vmem>>, vector<4096xi32>
    %convert_element_type3A_12 = arith.sitofp %get3A_11 : vector<4096xi32> to vector<4096xf32>
    %reshape3A = vector.shape_cast %convert_element_type3A_9 : vector<4096xf32> to vector<4096x1xf32>
    %reshape3A_13 = vector.shape_cast %convert_element_type3A_12 : vector<4096xf32> to vector<4096x1xf32>
    %broadcast_in_dim3A = arith.constant 1.000000e+00 : f32
    %broadcast_in_dim3A_14 = vector.broadcast %broadcast_in_dim3A : f32 to vector<1x20xf32>
    %dot_general3A = arith.constant dense<0.000000e+00> : vector<4096x20xf32>
    %dot_general3A_15 = tpu.matmul %reshape3A_13, %broadcast_in_dim3A_14, %dot_general3A {dimension_numbers = #tpu.dot_dimension_numbers<[1], [0], [0], [1], [0, 0, 1, 1], [], []>, transpose_lhs_hint = false} : vector<4096x1xf32>, vector<1x20xf32>, vector<4096x20xf32> -> vector<4096x20xf32>
    %iota3A = tpu.iota {dimensions = array<i32: 1>} : vector<4096x20xi32>
    %convert_element_type3A_16 = arith.sitofp %iota3A : vector<4096x20xi32> to vector<4096x20xf32>
    %eq3A = arith.cmpf oeq, %dot_general3A_15, %convert_element_type3A_16 : vector<4096x20xf32>
    %convert_element_type3A_17 = arith.extui %eq3A : vector<4096x20xi1> to vector<4096x20xi32>
    %convert_element_type3A_18 = arith.sitofp %convert_element_type3A_17 : vector<4096x20xi32> to vector<4096x20xf32>
    %get3A_19 = arith.constant 0 : index
    %get3A_20 = arith.constant 0 : index
    %get3A_21 = vector.load %arg5[%get3A_19, %get3A_20] : memref<20x128xf32, #tpu.memory_space<vmem>>, vector<20x128xf32>
    %get3A_22 = arith.constant 0 : index
    %get3A_23 = vector.load %arg9[%get3A_22] : memref<128xf32, #tpu.memory_space<vmem>>, vector<128xf32>
    %reshape3A_24 = vector.shape_cast %get3A_23 : vector<128xf32> to vector<1x128xf32>
    %add3A = vector.broadcast %reshape3A_24 : vector<1x128xf32> to vector<20x128xf32>
    %add3A_25 = arith.addf %get3A_21, %add3A : vector<20x128xf32>
    %dot_general3A_26 = arith.constant dense<0.000000e+00> : vector<4096x128xf32>
    %dot_general3A_27 = tpu.matmul %convert_element_type3A_18, %add3A_25, %dot_general3A_26 {dimension_numbers = #tpu.dot_dimension_numbers<[1], [0], [0], [1], [0, 0, 1, 1], [], []>, transpose_lhs_hint = false} : vector<4096x20xf32>, vector<20x128xf32>, vector<4096x128xf32> -> vector<4096x128xf32>
    %get3A_28 = arith.constant 0 : index
    %get3A_29 = arith.constant 0 : index
    %get3A_30 = vector.load %arg6[%get3A_28, %get3A_29] : memref<8x64xf32, #tpu.memory_space<vmem>>, vector<8x64xf32>
    %dot_general3A_31 = arith.constant dense<0.000000e+00> : vector<4096x64xf32>
    %dot_general3A_32 = tpu.matmul %get3A_4, %get3A_30, %dot_general3A_31 {dimension_numbers = #tpu.dot_dimension_numbers<[1], [0], [0], [1], [0, 0, 1, 1], [], []>, transpose_lhs_hint = false} : vector<4096x8xf32>, vector<8x64xf32>, vector<4096x64xf32> -> vector<4096x64xf32>
    %get3A_33 = arith.constant 0 : index
    %get3A_34 = vector.load %arg7[%get3A_33] : memref<64xf32, #tpu.memory_space<vmem>>, vector<64xf32>
    %reshape3A_35 = vector.shape_cast %get3A_34 : vector<64xf32> to vector<1x64xf32>
    %add3A_36 = vector.broadcast %reshape3A_35 : vector<1x64xf32> to vector<4096x64xf32>
    %add3A_37 = arith.addf %dot_general3A_32, %add3A_36 : vector<4096x64xf32>
    %max3A = arith.constant 0.000000e+00 : f32
    %max3A_38 = vector.broadcast %max3A : f32 to vector<4096x64xf32>
    %max3A_39 = arith.maximumf %add3A_37, %max3A_38 : vector<4096x64xf32>
    %get3A_40 = arith.constant 0 : index
    %get3A_41 = arith.constant 0 : index
    %get3A_42 = vector.load %arg8[%get3A_40, %get3A_41] : memref<64x128xf32, #tpu.memory_space<vmem>>, vector<64x128xf32>
    %dot_general3A_43 = arith.constant dense<0.000000e+00> : vector<4096x128xf32>
    %dot_general3A_44 = tpu.matmul %max3A_39, %get3A_42, %dot_general3A_43 {dimension_numbers = #tpu.dot_dimension_numbers<[1], [0], [0], [1], [0, 0, 1, 1], [], []>, transpose_lhs_hint = false} : vector<4096x64xf32>, vector<64x128xf32>, vector<4096x128xf32> -> vector<4096x128xf32>
    %add3A_45 = arith.addf %dot_general3A_44, %dot_general3A_27 : vector<4096x128xf32>
    %broadcast_in_dim3A_46 = arith.constant 1.000000e+00 : f32
    %broadcast_in_dim3A_47 = vector.broadcast %broadcast_in_dim3A_46 : f32 to vector<1x128xf32>
    %get3A_48 = arith.constant 0 : index
    %get3A_49 = arith.constant 0 : index
    %get3A_50 = vector.load %arg10[%get3A_48, %get3A_49] : memref<256x1xf32, #tpu.memory_space<vmem>>, vector<128x1xf32>
    %dot_general3A_51 = arith.constant dense<0.000000e+00> : vector<128x128xf32>
    %dot_general3A_52 = tpu.matmul %get3A_50, %broadcast_in_dim3A_47, %dot_general3A_51 {dimension_numbers = #tpu.dot_dimension_numbers<[1], [0], [0], [1], [0, 0, 1, 1], [], []>, transpose_lhs_hint = false} : vector<128x1xf32>, vector<1x128xf32>, vector<128x128xf32> -> vector<128x128xf32>
    %get3A_53 = arith.constant 128 : index
    %get3A_54 = arith.constant 0 : index
    %get3A_55 = vector.load %arg10[%get3A_53, %get3A_54] : memref<256x1xf32, #tpu.memory_space<vmem>>, vector<128x1xf32>
    %dot_general3A_56 = arith.constant dense<0.000000e+00> : vector<128x128xf32>
    %dot_general3A_57 = tpu.matmul %get3A_55, %broadcast_in_dim3A_47, %dot_general3A_56 {dimension_numbers = #tpu.dot_dimension_numbers<[1], [0], [0], [1], [0, 0, 1, 1], [], []>, transpose_lhs_hint = false} : vector<128x1xf32>, vector<1x128xf32>, vector<128x128xf32> -> vector<128x128xf32>
    %dot_general3A_58 = arith.constant dense<0.000000e+00> : vector<4096x128xf32>
    %dot_general3A_59 = tpu.matmul %get3A_1, %dot_general3A_52, %dot_general3A_58 {dimension_numbers = #tpu.dot_dimension_numbers<[1], [0], [0], [1], [0, 0, 1, 1], [], []>, transpose_lhs_hint = false} : vector<4096x128xf32>, vector<128x128xf32>, vector<4096x128xf32> -> vector<4096x128xf32>
    %dot_general3A_60 = arith.constant dense<0.000000e+00> : vector<4096x128xf32>
    %dot_general3A_61 = tpu.matmul %add3A_45, %dot_general3A_57, %dot_general3A_60 {dimension_numbers = #tpu.dot_dimension_numbers<[1], [0], [0], [1], [0, 0, 1, 1], [], []>, transpose_lhs_hint = false} : vector<4096x128xf32>, vector<128x128xf32>, vector<4096x128xf32> -> vector<4096x128xf32>
    %add3A_62 = arith.addf %dot_general3A_59, %dot_general3A_61 : vector<4096x128xf32>
    %get3A_63 = arith.constant 0 : index
    %get3A_64 = vector.load %arg11[%get3A_63] : memref<1xf32, #tpu.memory_space<vmem>>, vector<1xf32>
    %get3A_65 = vector.extract %get3A_64[0] : f32 from vector<1xf32>
    %add3A_66 = vector.broadcast %get3A_65 : f32 to vector<4096x128xf32>
    %add3A_67 = arith.addf %add3A_62, %add3A_66 : vector<4096x128xf32>
    %dot_general3A_68 = arith.constant dense<0.000000e+00> : vector<4096x128xf32>
    %dot_general3A_69 = tpu.matmul %reshape3A, %broadcast_in_dim3A_47, %dot_general3A_68 {dimension_numbers = #tpu.dot_dimension_numbers<[1], [0], [0], [1], [0, 0, 1, 1], [], []>, transpose_lhs_hint = false} : vector<4096x1xf32>, vector<1x128xf32>, vector<4096x128xf32> -> vector<4096x128xf32>
    %neg3A = arith.constant 0.000000e+00 : f32
    %neg3A_70 = vector.broadcast %neg3A : f32 to vector<4096x128xf32>
    %neg3A_71 = arith.subf %neg3A_70, %add3A_67 : vector<4096x128xf32>
    %exp3A = math.exp %neg3A_71 : vector<4096x128xf32>
    %add3A_72 = arith.constant 1.000000e+00 : f32
    %add3A_73 = vector.broadcast %add3A_72 : f32 to vector<4096x128xf32>
    %add3A_74 = arith.addf %add3A_73, %exp3A : vector<4096x128xf32>
    %div3A = arith.divf %dot_general3A_69, %add3A_74 : vector<4096x128xf32>
    %sub3A = arith.subf %get3A_1, %add3A_45 : vector<4096x128xf32>
    %mul3A = arith.mulf %div3A, %sub3A : vector<4096x128xf32>
    %add3A_75 = arith.addf %add3A_45, %mul3A : vector<4096x128xf32>
    %broadcast_in_dim3A_76 = arith.constant 7.812500e-03 : f32
    %broadcast_in_dim3A_77 = vector.broadcast %broadcast_in_dim3A_76 : f32 to vector<128x128xf32>
    %dot_general3A_78 = arith.constant dense<0.000000e+00> : vector<4096x128xf32>
    %dot_general3A_79 = tpu.matmul %add3A_75, %broadcast_in_dim3A_77, %dot_general3A_78 {dimension_numbers = #tpu.dot_dimension_numbers<[1], [0], [0], [1], [0, 0, 1, 1], [], []>, transpose_lhs_hint = false} : vector<4096x128xf32>, vector<128x128xf32>, vector<4096x128xf32> -> vector<4096x128xf32>
    %sub3A_80 = arith.subf %add3A_75, %dot_general3A_79 : vector<4096x128xf32>
    %mul3A_81 = arith.mulf %sub3A_80, %sub3A_80 : vector<4096x128xf32>
    %dot_general3A_82 = arith.constant dense<0.000000e+00> : vector<4096x128xf32>
    %dot_general3A_83 = tpu.matmul %mul3A_81, %broadcast_in_dim3A_77, %dot_general3A_82 {dimension_numbers = #tpu.dot_dimension_numbers<[1], [0], [0], [1], [0, 0, 1, 1], [], []>, transpose_lhs_hint = false} : vector<4096x128xf32>, vector<128x128xf32>, vector<4096x128xf32> -> vector<4096x128xf32>
    %add3A_84 = arith.constant 9.99999974E-6 : f32
    %add3A_85 = vector.broadcast %add3A_84 : f32 to vector<4096x128xf32>
    %add3A_86 = arith.addf %dot_general3A_83, %add3A_85 : vector<4096x128xf32>
    %rsqrt3A = math.rsqrt %add3A_86 : vector<4096x128xf32>
    %mul3A_87 = arith.mulf %sub3A_80, %rsqrt3A : vector<4096x128xf32>
    %get3A_88 = arith.constant 0 : index
    %get3A_89 = vector.load %arg12[%get3A_88] : memref<128xf32, #tpu.memory_space<vmem>>, vector<128xf32>
    %reshape3A_90 = vector.shape_cast %get3A_89 : vector<128xf32> to vector<1x128xf32>
    %mul3A_91 = vector.broadcast %reshape3A_90 : vector<1x128xf32> to vector<4096x128xf32>
    %mul3A_92 = arith.mulf %mul3A_87, %mul3A_91 : vector<4096x128xf32>
    %get3A_93 = arith.constant 0 : index
    %get3A_94 = vector.load %arg13[%get3A_93] : memref<128xf32, #tpu.memory_space<vmem>>, vector<128xf32>
    %reshape3A_95 = vector.shape_cast %get3A_94 : vector<128xf32> to vector<1x128xf32>
    %add3A_96 = vector.broadcast %reshape3A_95 : vector<1x128xf32> to vector<4096x128xf32>
    %add3A_97 = arith.addf %mul3A_92, %add3A_96 : vector<4096x128xf32>
    %swap3A = arith.constant 0 : index
    %swap3A_98 = arith.constant 0 : index
    %swap3A_99 = vector.load %arg14[%swap3A, %swap3A_98] : memref<4096x128xf32, #tpu.memory_space<vmem>>, vector<4096x128xf32>
    tpu.vector_store %arg14[%swap3A, %swap3A_98], %add3A_97 {strides = array<i32>} : memref<4096x128xf32, #tpu.memory_space<vmem>>, vector<4096x128xf32>,
    return
  }
  func.func @transform_0(%arg0: i32) -> i32 {
    %c0_i32 = arith.constant 0 : i32
    return %arg0 : i32
  }
  func.func @transform_1(%arg0: i32) -> i32 {
    %c0_i32 = arith.constant 0 : i32
    return %arg0 : i32
  }
  func.func @transform_2(%arg0: i32) -> (i32, i32) {
    %c0_i32 = arith.constant 0 : i32
    %c0_i32_0 = arith.constant 0 : i32
    return %arg0, %c0_i32 : i32, i32
  }
  func.func @transform_3(%arg0: i32) -> (i32, i32) {
    %c0_i32 = arith.constant 0 : i32
    %c0_i32_0 = arith.constant 0 : i32
    return %arg0, %c0_i32 : i32, i32
  }
  func.func @transform_4(%arg0: i32) -> (i32, i32) {
    %c0_i32 = arith.constant 0 : i32
    %c0_i32_0 = arith.constant 0 : i32
    %c0_i32_1 = arith.constant 0 : i32
    return %c0_i32, %c0_i32_0 : i32, i32
  }
  func.func @transform_5(%arg0: i32) -> (i32, i32) {
    %c0_i32 = arith.constant 0 : i32
    %c0_i32_0 = arith.constant 0 : i32
    %c0_i32_1 = arith.constant 0 : i32
    return %c0_i32, %c0_i32_0 : i32, i32
  }
  func.func @transform_6(%arg0: i32) -> i32 {
    %c0_i32 = arith.constant 0 : i32
    %c0_i32_0 = arith.constant 0 : i32
    return %c0_i32 : i32
  }
  func.func @transform_7(%arg0: i32) -> (i32, i32) {
    %c0_i32 = arith.constant 0 : i32
    %c0_i32_0 = arith.constant 0 : i32
    %c0_i32_1 = arith.constant 0 : i32
    return %c0_i32, %c0_i32_0 : i32, i32
  }
  func.func @transform_8(%arg0: i32) -> i32 {
    %c0_i32 = arith.constant 0 : i32
    %c0_i32_0 = arith.constant 0 : i32
    return %c0_i32 : i32
  }
  func.func @transform_9(%arg0: i32) -> (i32, i32) {
    %c0_i32 = arith.constant 0 : i32
    %c0_i32_0 = arith.constant 0 : i32
    %c0_i32_1 = arith.constant 0 : i32
    return %c0_i32, %c0_i32_0 : i32, i32
  }
  func.func @transform_10(%arg0: i32) -> i32 {
    %c0_i32 = arith.constant 0 : i32
    %c0_i32_0 = arith.constant 0 : i32
    return %c0_i32 : i32
  }
  func.func @transform_11(%arg0: i32) -> i32 {
    %c0_i32 = arith.constant 0 : i32
    %c0_i32_0 = arith.constant 0 : i32
    return %c0_i32 : i32
  }
  func.func @transform_12(%arg0: i32) -> i32 {
    %c0_i32 = arith.constant 0 : i32
    %c0_i32_0 = arith.constant 0 : i32
    return %c0_i32 : i32
  }
  func.func @transform_13(%arg0: i32) -> (i32, i32) {
    %c0_i32 = arith.constant 0 : i32
    %c0_i32_0 = arith.constant 0 : i32
    return %arg0, %c0_i32 : i32, i32
  }
}

</mosaic_0001>

<sc_bundles>
// kernel: kernel.4.cloned.1.call-start
scs
__scs_entry_jumppad:
0x0: {  	(pc) =	sbr.rel $0x88, $3  }
0x1: {  	(tag) =	ssettag $0x0;
	lr =	simm.s32 $0x1  }
0x2: {  	[smem:$0x3F94] =	sst lr;
	_ =	strace $0xD0000000  }
0x3: {  	_ = 	snop  }
0x4: {  	_ = 	snop  }
0x5: {  	_ = 	snop  }
0x6: {  	_ = 	snop  }
0x7: {  	_ = 	snop  }
__scs_overlays_trampoline_lowered:
0x8: {  	[smem:$0x3FA3] =	sst s0  }
0x9: {  	[smem:$0x3FA4] =	sst s1  }
0xa: {  	[smem:$0x3FA5] =	sst s2  }
0xb: {  	[smem:$0x3FA6] =	sst s3  }
0xc: {  	[smem:$0x3FA7] =	sst s4  }
0xd: {  	[smem:$0x3FA8] =	sst s5  }
0xe: {  	[smem:$0x3FA9] =	sst s6  }
0xf: {  	[smem:$0x3FAA] =	sst s7  }
0x10: {  	[smem:$0x3FAB] =	sst s8  }
0x11: {  	[smem:$0x3FAC] =	sst s9;
	s0 =	simm.s32 @!p0 $0x0  }
0x12: {  	s1 =	sld [smem:$0x3F92];
	s0 =	simm.s32 @p0 $0x1  }
0x13: {  	[smem:$0x3FAD] =	sst s0;
	s0 =	simm.s32 @!p1 $0x0  }
0x14: {  	s2 =	sld [smem:$0x3F91];
	s0 =	simm.s32 @p1 $0x1  }
0x15: {  	[smem:$0x3FAE] =	sst s0;
	s0 =	simm.s32 @!p2 $0x0  }
0x16: {  	s3 =	sld [smem:$0x3FDB];
	s0 =	simm.s32 @p2 $0x1  }
0x17: {  	s4 =	simm.s32 $0x1BF5;
	[smem:$0x3FB0] =	sst s0  }
0x18: {  	s0 =	sld [smem:$0x3F93];
	_ =	swait.ge [sflag:s4], $0x0  }
0x19: {  	s7 =	sld [smem:$0x3F94]  }
0x1a: {  	s8 =	sadd.s32 $0xFFFFE003, lr  }
0x1b: {  	s9 =	sadd.s32 $0xFFFFFEF7, lr;
	s5 =	simm.s32 $0xFFFFFFFF;
	p2 =	slt.u32 s8, $0xFFFFF086  }
0x1c: {  	p1 =	slt.u32 s9, $0xF7A;
	s5 =	simm.s32 @!p2 $0x0  }
0x1d: {  	s5 =	simm.s32 @p1 $0x1;
	p0 =	seq.s32 s7, s2  }
0x1e: {  	s7 =	smul.u32 @!p0 $0xF7A, s2;
	p2 =	seq.s32 @!p0 s5, $0x0  }
0x1f: {  	s9 =	smul.u32 $0xF7A, s1;
	s8 =	simm.s32 @!p0 $0x1BF5;
	p2 =	por !p2, p0  }
0x20: {  	[sflag:s8] =	ssyncset.s32 @!p0 $0xFFFFF086;
	s6 =	sadd.s32 @!p0 s3, s7;
	s7 =	simm.s32 @!p0 $0x108  }
0x21: {  	s3 =	sadd.s32 s3, s9;
	s6 =	sadd.s32 @!p0 $0x88, s6;
	s7 =	simm.s32 @p2 $0x1082  }
0x22: {  	[simem:s7], [sflag:s8] =	dma.local @!p0 [hbm:s6], $0xF7A  }
0x23: {  	s9 =	sor.u32 $0xD0000000, s2;
	s6 =	simm.s32 $0x108;
	_ =	swait.ge @!p0 [sflag:s8], $0x0  }
0x24: {  	s3 =	sadd.s32 $0x88, s3;
	s6 =	simm.s32 @!p1 $0x1082;
	[sflag:s4] =	ssyncset.s32 $0xFFFFF086  }
0x25: {  	[simem:s6], [sflag:s4] =	dma.local [hbm:s3], $0xF7A  }
0x26: {  	[smem:$0x3F94] =	sst s1;
	(tag) =	ssettag s2;
	_ =	strace s9  }
0x27: {  	s1 =	sld [smem:$0x3FA4]  }
0x28: {  	s2 =	sld [smem:$0x3FA5]  }
0x29: {  	s4 =	sld [smem:$0x3FA7]  }
0x2a: {  	p0 =	seq.s32 s5, $0x0;
	s5 =	sld [smem:$0x3FA8]  }
0x2b: {  	s6 =	sld [smem:$0x3FA9]  }
0x2c: {  	s7 =	sld [smem:$0x3FAA]  }
0x2d: {  	s3 =	simm.s32 $0x108;
	s8 =	sld [smem:$0x3FAB]  }
0x2e: {  	s3 =	simm.s32 @!p0 $0x1082;
	s9 =	sld [smem:$0x3FAC]  }
0x2f: {  	lr =	sadd.s32 s0, s3;
	s0 =	sld [smem:$0x3FA3]  }
0x30: {  	s3 =	sld [smem:$0x3FA6]  }
0x31: {  	[smem:$0x3FAF] =	sst s10  }
0x32: {  	s10 =	sld [smem:$0x3FAD];
	_ =	sdelay $0x3  }
0x33: {  	p0 =	seq.s32 s10, $0x1;
	s10 =	sld [smem:$0x3FAF];
	_ =	sdelay $0x3  }
0x34: {  	[smem:$0x3FAF] =	sst s10  }
0x35: {  	s10 =	sld [smem:$0x3FAE];
	_ =	sdelay $0x3  }
0x36: {  	p1 =	seq.s32 s10, $0x1;
	s10 =	sld [smem:$0x3FAF];
	_ =	sdelay $0x3  }
0x37: {  	[smem:$0x3FAF] =	sst s10  }
0x38: {  	s10 =	sld [smem:$0x3FB0]  }
0x39: {  	_ = 	snop;
	(pc) =	sbr.ind lr, $3  }
0x3a: {  	_ = 	snop  }
0x3b: {  	_ = 	snop  }
0x3c: {  	p2 =	seq.s32 s10, $0x1;
	s10 =	sld [smem:$0x3FAF]  }
0x3d: {  	_ =	shalt  }
0x3e: {  	_ =	shalt  }
0x3f: {  	_ =	shalt  }
0x40: {  	_ =	shalt  }
0x41: {  	_ =	shalt  }
0x42: {  	_ =	shalt  }
0x43: {  	_ =	shalt  }
0x44: {  	_ =	shalt  }
0x45: {  	_ =	shalt  }
0x46: {  	_ =	shalt  }
0x47: {  	_ =	shalt  }
0x48: {  	_ =	shalt  }
0x49: {  	_ =	shalt  }
0x4a: {  	_ =	shalt  }
0x4b: {  	_ =	shalt  }
0x4c: {  	_ =	shalt  }
0x4d: {  	_ =	shalt  }
0x4e: {  	_ =	shalt  }
0x4f: {  	_ =	shalt  }
0x50: {  	_ =	shalt  }
0x51: {  	_ =	shalt  }
0x52: {  	_ =	shalt  }
0x53: {  	_ =	shalt  }
0x54: {  	_ =	shalt  }
0x55: {  	_ =	shalt  }
0x56: {  	_ =	shalt  }
0x57: {  	_ =	shalt  }
0x58: {  	_ =	shalt  }
0x59: {  	_ =	shalt  }
0x5a: {  	_ =	shalt  }
0x5b: {  	_ =	shalt  }
0x5c: {  	_ =	shalt  }
0x5d: {  	_ =	shalt  }
0x5e: {  	_ =	shalt  }
0x5f: {  	_ =	shalt  }
0x60: {  	_ =	shalt  }
0x61: {  	_ =	shalt  }
0x62: {  	_ =	shalt  }
0x63: {  	_ =	shalt  }
0x64: {  	_ =	shalt  }
0x65: {  	_ =	shalt  }
0x66: {  	_ =	shalt  }
0x67: {  	_ =	shalt  }
0x68: {  	_ =	shalt  }
0x69: {  	_ =	shalt  }
0x6a: {  	_ =	shalt  }
0x6b: {  	_ =	shalt  }
0x6c: {  	_ =	shalt  }
0x6d: {  	_ =	shalt  }
0x6e: {  	_ =	shalt  }
0x6f: {  	_ =	shalt  }
0x70: {  	_ =	shalt  }
0x71: {  	_ =	shalt  }
0x72: {  	_ =	shalt  }
0x73: {  	_ =	shalt  }
0x74: {  	_ =	shalt  }
0x75: {  	_ =	shalt  }
0x76: {  	_ =	shalt  }
0x77: {  	_ =	shalt  }
0x78: {  	_ =	shalt  }
0x79: {  	_ =	shalt  }
0x7a: {  	_ =	shalt  }
0x7b: {  	_ =	shalt  }
0x7c: {  	_ =	shalt  }
0x7d: {  	_ =	shalt  }
0x7e: {  	_ =	shalt  }
0x7f: {  	_ =	shalt  }
0x80: {  	_ =	shalt  }
0x81: {  	_ =	shalt  }
0x82: {  	_ =	shalt  }
0x83: {  	_ =	shalt  }
0x84: {  	_ =	shalt  }
0x85: {  	_ =	shalt  }
0x86: {  	_ =	shalt  }
0x87: {  	_ =	shalt  }
.Lfunc_end0:
.L_simem_size_0:
called_computation_lowered:
.L_overlay_start_0:
0x88: {  	s2 =	sld [smem:$0x3FD9]  }
0x89: {  	s3 =	sld [smem:$0x3FFE];
	_ =	sdelay $0x1  }
0x8a: {  	s1 =	srdreg.scid  }
0x8b: {  	s0 =	sand.u32 $0x1, s1  }
0x8c: {  	s15 =	sshll.u32 s0, $0xA;
	s2 =	sadd.s32 s3, s2  }
0x8d: {  	s2 =	sadd.s32 s2, s15  }
0x8e: {  	[smem:$0x3FBB] =	sst s2  }
0x8f: {  	_ = 	snop  }
0x90: {  	s2 =	sld [smem:$0x3FD0];
	_ =	sdelay $0x1  }
0x91: {  	s16 =	sld [smem:$0x3FC9]  }
0x92: {  	s5 =	simm.s32 $0xA;
	s6 =	simm.s32 $0x10;
	s4 =	sld [smem:$0x3FC6]  }
0x93: {  	[smem:s6], [sflag:s5] =	dma.local [hbm:s2], $0x1  }
0x94: {  	_ =	swait.eq [sflag:s5], $0x1  }
0x95: {  	[sflag:s5] =	ssyncset.done $0x0  }
0x96: {  	[sflag:s5] =	ssyncadd.s32 $0xFFFFFFFF  }
0x97: {  	s17 =	sld [smem:$0x10];
	(tm) =	ssettm $0x1  }
0x98: {  	s18 =	sld [smem:$0x3FFB];
	_ =	sdelay $0x3  }
0x99: {  	_ =	strace s18  }
0x9a: {  	s5 =	sld [smem:$0x3FFC];
	_ =	sdelay $0x3  }
0x9b: {  	_ =	strace s5  }
0x9c: {  	s5 =	sld [smem:$0x3FFD];
	_ =	sdelay $0x3  }
0x9d: {  	_ =	strace s5  }
0x9e: {  	_ =	strace $0x8FFFFFFF  }
0x9f: {  	s19 =	sld [smem:$0x3FDB];
	_ =	sdelay $0x1  }
0xa0: {  	s20 =	simm.s32 $_scs_section_size  }
0xa1: {  	s7 =	simm.s32 $_size__tile_overlayer_lowered;
	s8 =	simm.s32 $_tile_overlayer_lowered  }
0xa2: {  	s23 =	simm.s32 $0x1BFF;
	s22 =	sshll.u32 s8, $0x1;
	s5 =	sadd.s32 s20, s19  }
0xa3: {  	s9 =	simm.s32 $0x0;
	s21 =	sshll.u32 s7, $0x1;
	s7 =	sadd.s32 s22, s5  }
0xa4: {  	[timem:s9], [sflag:s23] =	dma.local [hbm:s7], s21  }
0xa5: {  	_ =	swait.ge [sflag:s23], s21  }
0xa6: {  	s6 =	ssub.s32 $0x0, s21;
	[sflag:s23] =	ssyncset.done $0x0  }
0xa7: {  	[sflag:s23] =	ssyncadd.s32 s6;
	_ =	sdelay $0x1  }
0xa8: {  	s24 =	simm.s32 $0x1B8B  }
0xa9: {  	_ =	swait.ge [sflag:s24], $0x1  }
0xaa: {  	[sflag:s24] =	ssyncset.done $0x0  }
0xab: {  	s25 =	simm.s32 $0x1B8E;
	[sflag:s24] =	ssyncadd.s32 $0xFFFFFFFF  }
0xac: {  	s26 =	simm.s32 $execute0_lowered;
	[smem:$0x3FD2] =	sst s25  }
0xad: {  	s6 =	sshll.u32 s26, $0x1;
	_ =	strace $0x80000046;
	[dreg:$0x1] =	wrdreg $0xFFFFFFFF  }
0xae: {  	s28 =	simm.s32 $_size_execute0_lowered;
	s5 =	sadd.s32 s5, s6;
	[dreg:$0x0] =	wrdreg $0x0  }
0xaf: {  	s6 =	sshll.u32 s28, $0x1;
	[dreg:$0x2] =	wrdreg s5  }
0xb0: {  	[dreg:$0x3] =	wrdreg s6  }
0xb1: {  	[dreg:$0x4] =	wrdreg $0xC0  }
0xb2: {  	_ =	task [dreg:s9], $0x5FFFF  }
0xb3: {  	[dreg:$0x1] =	wrdreg $0xFFFFFFFF  }
0xb4: {  	[dreg:$0x0] =	wrdreg $0x60  }
0xb5: {  	[dreg:$0x2] =	wrdreg s4  }
0xb6: {  	[dreg:$0x3] =	wrdreg s16  }
0xb7: {  	[dreg:$0x4] =	wrdreg s17  }
0xb8: {  	[dreg:$0x5] =	wrdreg $0x9  }
0xb9: {  	_ =	task.clear_ibuf [dreg:s9], $0x6FFFF;
	_ =	strace $0x90000046  }
0xba: {  	s29 =	simm.s32 $0x9;
	_ =	strace $0x80000048  }
0xbb: {  	_ =	swait.ge [sflag:s29], $0x1  }
0xbc: {  	[sflag:s29] =	ssyncadd.s32 $0xFFFFFFFF  }
0xbd: {  	_ =	strace $0x90000048  }
0xbe: {  	_ =	sfence  }
0xbf: {  	s30 =	sld [smem:$0x0];
	_ =	sdelay $0x2  }
0xc0: {  	s31 =	sshll.u32 s1, $0xD;
	s1 =	sshrl.u32 s1, $0x2  }
0xc1: {  	s3 =	sand.u32 $0x4000, s31;
	s1 =	sadd.s32 s1, s30  }
0xc2: {  	s0 =	sor.u32 s3, s0;
	s1 =	sshll.u32 s1, $0x11  }
0xc3: {  	s0 =	sor.u32 s1, s0  }
0xc4: {  	s0 =	sadd.s32 $0x8F2B, s0  }
0xc5: {  	[sflag:s0] =	ssyncadd.remote.s32 $0x1  }
0xc6: {  	_ =	sfence.sel $0xFFFF  }
0xc7: {  	[dreg:$0x0] =	wrdreg $0xFFFFFFFF;
	(pc) =	sbr.abs _section_cstart, $3  }
0xc8: {  	[dreg:$0x1] =	wrdreg $0xFFFFFFFF  }
0xc9: {  	_ =	task.clear_ibuf [dreg:s9], $0x2FFFF;
	_ =	strace $0x9FFFFFFF  }
0xca: {  	(tm) =	ssettm $0x7FFFFFFF  }
0xcb: {  	_ =	shalt  }
tec
execute0_lowered:
.L_overlay_start_1:
0x0: {  	(tag) =	ssettag $0x1  }
0x1: {  	s1 =	rddreg [dreg:$0x0];
	s2 =	srdreg.scid  }
0x2: {  	s4 =	rddreg [dreg:$0x1];
	s0 =	stileid.u32;
	s22 =	sand.u32 $0x1, s2  }
0x3: {  	s14 =	rddreg [dreg:$0x2];
	s5 =	sshll.u32 s0, $0xA;
	s6 =	sshll.u32 s22, $0x9  }
0x4: {  	s3 =	simm.s32 $0x0;
	s2 =	rddreg [dreg:$0x3];
	s15 =	sor.u32 s6, s5  }
0x5: {  	[smem:$0x7FF] =	sst s3;
	s5 =	sshrl.u32 s15, $0x3  }
0x6: {  	_ =	strace $0x80000047;
	s4 =	sadd.s32 s4, s5;
	s5 =	simm.s32 $0xA  }
0x7: {  	[tilespmem:s3], [sflag:$0xA] =	stream.linear.gather [hbm4b:s4+s3], $0x200, $0x38;
	[tilespmem:$0x10200] =	vst v63  }
0x8: {  	_ =	swait.ge [sflag:s5], $0x200  }
0x9: {  	[sflag:s5] =	ssyncset.done $0x0  }
0xa: {  	s7 =	simm.s32 $0x200;
	s6 =	simm.s32 $0x80;
	[sflag:s5] =	ssyncadd.s32 $0xFFFFFE00  }
0xb: {  	[tilespmem:s7], [sflag:$0x1] =	stream.indirect.gather [hbm4b:s1+s6], $0x80, s3, s6, $0xb8;
	[tilespmem:$0x10200] =	vst v63  }
0xc: {  	s8 =	simm.s32 $0x4200  }
0xd: {  	[tilespmem:s8], [sflag:$0x2] =	stream.indirect.gather [hbm4b:s1+s6], $0x80, s6, s6, $0xb8;
	[tilespmem:$0x10200] =	vst v63  }
0xe: {  	s9 =	simm.s32 $0x100;
	s10 =	simm.s32 $0x8200  }
0xf: {  	[tilespmem:s10], [sflag:$0x3] =	stream.indirect.gather [hbm4b:s1+s6], $0x80, s9, s6, $0xb8;
	[tilespmem:$0x10200] =	vst v63  }
0x10: {  	s11 =	simm.s32 $0x180;
	s12 =	simm.s32 $0xC200;
	s13 =	simm.s32 $0x1  }
0x11: {  	[tilespmem:s12], [sflag:$0x4] =	stream.indirect.gather [hbm4b:s1+s6], $0x80, s11, s6, $0xb8;
	[tilespmem:$0x10200] =	vst v63  }
0x12: {  	_ =	swait.ge [sflag:s13], $0x4000  }
0x13: {  	s15 =	sshll.u32 s15, $0x4;
	[sflag:s13] =	ssyncset.done $0x0  }
0x14: {  	s14 =	sadd.s32 s14, s15;
	s15 =	simm.s32 $0x2;
	[sflag:s13] =	ssyncadd.s32 $0xFFFFC000  }
0x15: {  	[hbm4b:s14+s3] =	stream.linear.scatter [tilespmem:s7], [sflag:$0x9], $0x4000, $0x38;
	[tilespmem:$0x10200] =	vst v63  }
0x16: {  	_ =	swait.ge [sflag:s15], $0x4000  }
0x17: {  	[sflag:s15] =	ssyncset.done $0x0  }
0x18: {  	s17 =	simm.s32 $0x3;
	s16 =	sadd.s32 $0x800, s14;
	[sflag:s15] =	ssyncadd.s32 $0xFFFFC000  }
0x19: {  	[hbm4b:s16+s3] =	stream.linear.scatter [tilespmem:s8], [sflag:$0x9], $0x4000, $0x38;
	[tilespmem:$0x10200] =	vst v63  }
0x1a: {  	_ =	swait.ge [sflag:s17], $0x4000  }
0x1b: {  	[sflag:s17] =	ssyncset.done $0x0  }
0x1c: {  	s19 =	simm.s32 $0x4;
	s18 =	sadd.s32 $0x1000, s14;
	[sflag:s17] =	ssyncadd.s32 $0xFFFFC000  }
0x1d: {  	[hbm4b:s18+s3] =	stream.linear.scatter [tilespmem:s10], [sflag:$0x9], $0x4000, $0x38;
	[tilespmem:$0x10200] =	vst v63  }
0x1e: {  	_ =	swait.ge [sflag:s19], $0x4000  }
0x1f: {  	[sflag:s19] =	ssyncset.done $0x0  }
0x20: {  	s20 =	simm.s32 $0x9;
	s21 =	sadd.s32 $0x1800, s14;
	[sflag:s19] =	ssyncadd.s32 $0xFFFFC000  }
0x21: {  	[hbm4b:s21+s3] =	stream.linear.scatter [tilespmem:s12], [sflag:$0x9], $0x4000, $0x38;
	[tilespmem:$0x10200] =	vst v63  }
0x22: {  	_ =	swait.ge [sflag:s20], $0x4000  }
0x23: {  	s22 =	ssub.s32 $0x2, s22;
	[sflag:s20] =	ssyncset.done $0x0  }
0x24: {  	s23 =	sshrl.u32 s22, $0x1;
	[sflag:s20] =	ssyncadd.s32 $0xFFFFC000  }
0x25: {  	s22 =	ssub.s32 s22, s23;
	_ =	swait.ge [sflag:s20], $0x4000  }
0x26: {  	s22 =	smax.u32 s22, $0x1;
	[sflag:s20] =	ssyncset.done $0x0  }
0x27: {  	p0 =	sne.s32 s22, $0x1;
	[sflag:s20] =	ssyncadd.s32 $0xFFFFC000  }
.Ltmp0:
0x28: {  	_ =	swait.ge [sflag:s20], $0x4000;
	(pc) =	sbr.rel @!p0 .LBB2_2-.Ltmp0, $4  }
0x29: {  	[sflag:s20] =	ssyncset.done $0x0  }
0x2a: {  	[sflag:s20] =	ssyncadd.s32 $0xFFFFC000  }
0x2b: {  	_ =	swait.ge [sflag:s20], $0x4000  }
0x2c: {  	s22 =	sadd.s32 $0xFFFFFFFF, s22;
	[sflag:s20] =	ssyncset.done $0x0  }
.LBB2_1:
0x2d: {  	p0 =	sne.s32 s22, $0x1;
	s22 =	sadd.s32 $0xFFFFFFFF, s22;
	[sflag:s20] =	ssyncadd.s32 $0xFFFFC000  }
0x2e: {  	[tilespmem:s3], [sflag:$0xA] =	stream.linear.gather [hbm4b:s4+s3], $0x200, $0x38;
	[tilespmem:$0x10200] =	vst v63  }
0x2f: {  	_ =	swait.ge [sflag:s5], $0x200  }
0x30: {  	[sflag:s5] =	ssyncset.done $0x0  }
0x31: {  	[sflag:s5] =	ssyncadd.s32 $0xFFFFFE00  }
0x32: {  	[tilespmem:s7], [sflag:$0x1] =	stream.indirect.gather [hbm4b:s1+s6], $0x80, s3, s6, $0xb8;
	[tilespmem:$0x10200] =	vst v63  }
0x33: {  	_ = 	snop  }
0x34: {  	[tilespmem:s8], [sflag:$0x2] =	stream.indirect.gather [hbm4b:s1+s6], $0x80, s6, s6, $0xb8;
	[tilespmem:$0x10200] =	vst v63  }
0x35: {  	_ = 	snop  }
0x36: {  	[tilespmem:s10], [sflag:$0x3] =	stream.indirect.gather [hbm4b:s1+s6], $0x80, s9, s6, $0xb8;
	[tilespmem:$0x10200] =	vst v63  }
0x37: {  	_ = 	snop  }
0x38: {  	[tilespmem:s12], [sflag:$0x4] =	stream.indirect.gather [hbm4b:s1+s6], $0x80, s11, s6, $0xb8;
	[tilespmem:$0x10200] =	vst v63  }
0x39: {  	_ =	swait.ge [sflag:s13], $0x4000  }
0x3a: {  	[sflag:s13] =	ssyncset.done $0x0  }
0x3b: {  	[sflag:s13] =	ssyncadd.s32 $0xFFFFC000  }
0x3c: {  	[hbm4b:s14+s3] =	stream.linear.scatter [tilespmem:s7], [sflag:$0x9], $0x4000, $0x38;
	[tilespmem:$0x10200] =	vst v63  }
0x3d: {  	_ =	swait.ge [sflag:s15], $0x4000  }
0x3e: {  	[sflag:s15] =	ssyncset.done $0x0  }
0x3f: {  	[sflag:s15] =	ssyncadd.s32 $0xFFFFC000  }
0x40: {  	[hbm4b:s16+s3] =	stream.linear.scatter [tilespmem:s8], [sflag:$0x9], $0x4000, $0x38;
	[tilespmem:$0x10200] =	vst v63  }
0x41: {  	_ =	swait.ge [sflag:s17], $0x4000  }
0x42: {  	[sflag:s17] =	ssyncset.done $0x0  }
0x43: {  	[sflag:s17] =	ssyncadd.s32 $0xFFFFC000  }
0x44: {  	[hbm4b:s18+s3] =	stream.linear.scatter [tilespmem:s10], [sflag:$0x9], $0x4000, $0x38;
	[tilespmem:$0x10200] =	vst v63  }
0x45: {  	_ =	swait.ge [sflag:s19], $0x4000  }
0x46: {  	[sflag:s19] =	ssyncset.done $0x0  }
0x47: {  	[sflag:s19] =	ssyncadd.s32 $0xFFFFC000  }
0x48: {  	[hbm4b:s21+s3] =	stream.linear.scatter [tilespmem:s12], [sflag:$0x9], $0x4000, $0x38;
	[tilespmem:$0x10200] =	vst v63  }
0x49: {  	_ =	swait.ge [sflag:s20], $0x4000  }
0x4a: {  	[sflag:s20] =	ssyncset.done $0x0  }
0x4b: {  	[sflag:s20] =	ssyncadd.s32 $0xFFFFC000  }
0x4c: {  	_ =	swait.ge [sflag:s20], $0x4000  }
0x4d: {  	[sflag:s20] =	ssyncset.done $0x0  }
0x4e: {  	[sflag:s20] =	ssyncadd.s32 $0xFFFFC000  }
.Ltmp1:
0x4f: {  	_ =	swait.ge [sflag:s20], $0x4000;
	(pc) =	sbr.rel @p0 .LBB2_1-.Ltmp1, $4  }
0x50: {  	[sflag:s20] =	ssyncset.done $0x0  }
0x51: {  	[sflag:s20] =	ssyncadd.s32 $0xFFFFC000  }
0x52: {  	_ =	swait.ge [sflag:s20], $0x4000  }
0x53: {  	[sflag:s20] =	ssyncset.done $0x0  }
.LBB2_2:
0x54: {  	[sflag:s20] =	ssyncadd.s32 $0xFFFFC000  }
0x55: {  	_ =	sfence.sel $0x180000  }
0x56: {  	[bflag:$0x0] =	sbarrier.arrive $0xFFFF  }
0x57: {  	p0 =	sne.s32 s0, $0x0;
	_ =	strace $0x90000047  }
0x58: {  	s0 =	sadd.s32 @!p0 $0x100000, s2;
	[bflag:$0x2] =	sbarrier.arrive $0xFFFF  }
0x59: {  	[sflag:s0] =	ssyncadd.tile.s32 @!p0 $0x1;
	_ =	shalt  }
.Lfunc_end2:
_tile_overlayer_lowered:
.L_overlay_start_2:
0x5a: {  	(tag) =	ssettag $0x2  }
0x5b: {  	s0 =	rddreg [dreg:$0x0];
	s2 =	stileid.u32  }
0x5c: {  	s1 =	rddreg [dreg:$0x1];
	p0 =	sne.s32 s2, $0x0  }
0x5d: {  	s3 =	rddreg [dreg:$0x2];
	[bflag:$0x3] =	sbarrier.arrive $0xFFFF;
	s2 =	simm.s32 @!p0 $0x1C0A  }
0x5e: {  	[timem:s3], [sflag:s2] =	dma.local @!p0 [hbm:s0], s1  }
0x5f: {  	s0 =	simm.s32 @!p0 $0xA  }
0x60: {  	_ =	swait.ge @!p0 [sflag:s0], s1  }
0x61: {  	s1 =	ssub.s32 @!p0 $0x0, s1;
	[sflag:s0] =	ssyncset.done @!p0 $0x0  }
0x62: {  	[sflag:s0] =	ssyncadd.s32 @!p0 s1  }
0x63: {  	[bflag:$0x3] =	sbarrier.arrive $0xFFFF  }
0x64: {  	_ =	shalt  }

</sc_bundles>
